<compile_context>
chip_gen: v7x
topology: tpu7x:2x2x1
jax: 0.10.2.dev20260603
libtpu: 0.0.44.dev20260713+nightly
codegen_flags: <defaults>
</compile_context>

<pallas_src>
import functools

import jax
import jax.numpy as jnp
from jax import lax
from jax.experimental import pallas as pl
from jax.experimental.pallas import tpu as pltpu
from jax.experimental.pallas import tpu_sc as plsc

N_NODES = 10000
N_EDGES = 160000
D_FEAT = 256
LANES = 16

NC = 2
NS = 16
NW = NC * NS

C = 128
NCHUNK = N_EDGES // C
CHUNKS_PER_W = -(-NCHUNK // NW)
GROUPS = C // LANES
KCH = D_FEAT // LANES


def _dot_chunk(srows, drows, ov):
    lane = lax.iota(jnp.int32, LANES)

    def group_body(g, _):
        ev = g * LANES + lane

        def f_body(fo, acc):
            for k in range(LANES):
                fv = jnp.full((LANES,), fo * LANES + k, jnp.int32)
                a = plsc.load_gather(srows, [ev, fv])
                b = plsc.load_gather(drows, [ev, fv])
                acc = acc + a * b
            return acc

        acc = lax.fori_loop(0, KCH, f_body, jnp.zeros((LANES,), jnp.float32))
        ov[pl.ds(g * LANES, LANES)] = acc
        return 0

    lax.fori_loop(0, GROUPS, group_body, 0)


@functools.partial(
    pl.kernel,
    mesh=plsc.VectorSubcoreMesh(core_axis_name="c", subcore_axis_name="s"),
    out_type=jax.ShapeDtypeStruct((N_EDGES,), jnp.float32),
    scratch_types=[
        pltpu.VMEM((C,), jnp.int32),
        pltpu.VMEM((C,), jnp.int32),
        pltpu.VMEM((C, D_FEAT), jnp.float32),
        pltpu.VMEM((C, D_FEAT), jnp.float32),
        pltpu.VMEM((C,), jnp.float32),
        pltpu.SemaphoreType.DMA,
    ],
    compiler_params=pltpu.CompilerParams(
        needs_layout_passes=False, use_tc_tiling_on_sc=False),
)
def _score_kernel(x_hbm, src_hbm, dst_hbm, out_hbm,
                  sidx, didx, srows, drows, ov, sem):
    wid = lax.axis_index("s") * NC + lax.axis_index("c")

    def chunk_body(j, _):
        cid = wid + j * NW

        @pl.when(cid < NCHUNK)
        def _():
            base = cid * C
            pltpu.sync_copy(src_hbm.at[pl.ds(base, C)], sidx)
            pltpu.sync_copy(dst_hbm.at[pl.ds(base, C)], didx)
            cp_s = pltpu.async_copy(x_hbm.at[sidx], srows, sem)
            cp_d = pltpu.async_copy(x_hbm.at[didx], drows, sem)
            cp_s.wait()
            cp_d.wait()
            pltpu.sync_copy(ov, out_hbm.at[pl.ds(base, C)])

        return 0

    lax.fori_loop(0, CHUNKS_PER_W, chunk_body, 0)


def kernel(x, edge_index):
    src = edge_index[0].astype(jnp.int32)
    dst = edge_index[1].astype(jnp.int32)
    score = _score_kernel(x, src, dst)
    return score.reshape(N_EDGES, 1)

# --- scband reference (transcript-rebuilt; emitter-appended) ---
"""Pipeline reference for scband-score-predictor-32109175505535 (READ-ONLY COPY).

The authoritative reference and input builder live on the scoring server;
editing this copy changes nothing except your own understanding.
"""

import jax, jax.numpy as jnp
import numpy as np

N_NODES = 10000
N_EDGES = 160000
D_FEAT = 256

def setup_inputs(seed: int = 0) -> dict:
    key = jax.random.key(seed)
    k1, k2 = jax.random.split(key)
    x = jax.random.normal(k1, (N_NODES, D_FEAT), dtype=jnp.float32)
    edge_index = jax.random.randint(k2, (2, N_EDGES), 0, N_NODES, dtype=jnp.int64)
    return {"x": x, "edge_index": edge_index}

def reference(x, edge_index):
    # DGL u_dot_v: for each edge (u, v), score = dot(x[u], x[v])
    # Homogeneous-graph translation of the heterograph ScorePredictor:
    # gather source and destination node features, elementwise multiply, reduce.
    src = edge_index[0]
    dst = edge_index[1]
    x_u = jnp.take(x, src, axis=0)  # [E, d]
    x_v = jnp.take(x, dst, axis=0)  # [E, d]
    score = jnp.sum(x_u * x_v, axis=-1, keepdims=True)  # [E, 1], matches DGL u_dot_v output
    return score

if __name__ == "__main__":
    import jax
    _d = setup_inputs()
    print(jax.jit(kernel)(*tuple(_d.values())))

</pallas_src>

<mosaic_0001>
#map = affine_map<(d0, d1) -> (0, 0)>
#map1 = affine_map<(d0, d1) -> (0)>
module attributes {stable_mosaic.version = 14 : i64} {
  func.func @_score_kernel(%arg0: i32, %arg1: i32, %arg2: memref<10000x256xf32, #tpu.memory_space<hbm>>, %arg3: memref<160000xi32, #tpu.memory_space<hbm>>, %arg4: memref<160000xi32, #tpu.memory_space<hbm>>, %arg5: memref<160000xf32, #tpu.memory_space<hbm>>, %arg6: memref<128xi32, #tpu.memory_space<vmem>>, %arg7: memref<128xi32, #tpu.memory_space<vmem>>, %arg8: memref<128x256xf32, #tpu.memory_space<vmem>>, %arg9: memref<128x256xf32, #tpu.memory_space<vmem>>, %arg10: memref<128xf32, #tpu.memory_space<vmem>>, %arg11: memref<!tpu.dma_semaphore, #tpu.memory_space<semaphore_mem>>) attributes {dimension_semantics = [#tpu.dimension_semantics<core_parallel>, #tpu.dimension_semantics<subcore_parallel>], iteration_bounds = array<i64: 2, 16>, scalar_prefetch = 0 : i64, scratch_operands = 6 : i64, tpu.core_type = #tpu.core_type<sc_vector_subcore>, window_params = [{transform_indices = #map}, {transform_indices = #map1}, {transform_indices = #map1}, {transform_indices = #map1}]} {
    %mul3A = arith.constant 2 : i32
    %mul3A_0 = arith.muli %arg1, %mul3A : i32
    %add3A = arith.addi %mul3A_0, %arg0 : i32
    %scan3A = arith.constant 0 : i32
    %scan3A_1 = arith.constant 0 : i32
    %scan3A_2 = arith.constant 40 : i32
    %scan3A_3 = arith.addi %scan3A_1, %scan3A_2 : i32
    %scan3A_4 = arith.constant 1 : i32
    %scan3A_5 = scf.for %scan3A_7 = %scan3A_1 to %scan3A_3 step %scan3A_4 iter_args(%scan3A_8 = %scan3A) -> (i32)  : i32 {
      %mul3A_9 = arith.constant 32 : i32
      %mul3A_10 = arith.muli %scan3A_7, %mul3A_9 : i32
      %add3A_11 = arith.addi %add3A, %mul3A_10 : i32
      %lt3A = arith.constant 1250 : i32
      %lt3A_12 = arith.cmpi slt, %add3A_11, %lt3A : i32
      %convert_element_type3A = arith.extui %lt3A_12 : i1 to i32
      %cond3A = arith.constant 0 : i32
      %cond3A_13 = arith.cmpi ne, %convert_element_type3A, %cond3A : i32
      scf.if %cond3A_13 {
        %mul3A_15 = arith.constant 128 : i32
        %mul3A_16 = arith.muli %add3A_11, %mul3A_15 : i32
        "tpu.region"() ({
          %run_scoped3A = tpu.sem_alloc : memref<!tpu.dma_semaphore, #tpu.memory_space<semaphore_mem>>
          %dma_start3A_27 = tpu.memref_slice %arg3[%mul3A_16] : memref<160000xi32, #tpu.memory_space<hbm>> -> memref<128xi32, #tpu.memory_space<hbm>>
          %dma_start3A_28 = tpu.memref_slice %arg3[%mul3A_16] : memref<160000xi32, #tpu.memory_space<hbm>> -> memref<128xi32, #tpu.memory_space<hbm>>
          tpu.enqueue_dma source(%dma_start3A_28 : memref<128xi32, #tpu.memory_space<hbm>>) target(%arg6 : memref<128xi32, #tpu.memory_space<vmem>>) target_semaphore(%run_scoped3A : memref<!tpu.dma_semaphore, #tpu.memory_space<semaphore_mem>>)
          %dma_wait3A_29 = tpu.memref_slice %arg3[%mul3A_16] : memref<160000xi32, #tpu.memory_space<hbm>> -> memref<128xi32, #tpu.memory_space<hbm>>
          %dma_wait3A_30 = tpu.memref_slice %arg3[%mul3A_16] : memref<160000xi32, #tpu.memory_space<hbm>> -> memref<128xi32, #tpu.memory_space<hbm>>
          tpu.wait_dma2 semaphore(%run_scoped3A : memref<!tpu.dma_semaphore, #tpu.memory_space<semaphore_mem>>) src(%dma_wait3A_30 : memref<128xi32, #tpu.memory_space<hbm>>) dst(%arg6 : memref<128xi32, #tpu.memory_space<vmem>>)
          tpu.yield
        }) : () -> ()
        "tpu.region"() ({
          %run_scoped3A = tpu.sem_alloc : memref<!tpu.dma_semaphore, #tpu.memory_space<semaphore_mem>>
          %dma_start3A_27 = tpu.memref_slice %arg4[%mul3A_16] : memref<160000xi32, #tpu.memory_space<hbm>> -> memref<128xi32, #tpu.memory_space<hbm>>
          %dma_start3A_28 = tpu.memref_slice %arg4[%mul3A_16] : memref<160000xi32, #tpu.memory_space<hbm>> -> memref<128xi32, #tpu.memory_space<hbm>>
          tpu.enqueue_dma source(%dma_start3A_28 : memref<128xi32, #tpu.memory_space<hbm>>) target(%arg7 : memref<128xi32, #tpu.memory_space<vmem>>) target_semaphore(%run_scoped3A : memref<!tpu.dma_semaphore, #tpu.memory_space<semaphore_mem>>)
          %dma_wait3A_29 = tpu.memref_slice %arg4[%mul3A_16] : memref<160000xi32, #tpu.memory_space<hbm>> -> memref<128xi32, #tpu.memory_space<hbm>>
          %dma_wait3A_30 = tpu.memref_slice %arg4[%mul3A_16] : memref<160000xi32, #tpu.memory_space<hbm>> -> memref<128xi32, #tpu.memory_space<hbm>>
          tpu.wait_dma2 semaphore(%run_scoped3A : memref<!tpu.dma_semaphore, #tpu.memory_space<semaphore_mem>>) src(%dma_wait3A_30 : memref<128xi32, #tpu.memory_space<hbm>>) dst(%arg7 : memref<128xi32, #tpu.memory_space<vmem>>)
          tpu.yield
        }) : () -> ()
        %dma_start3A = arith.constant 0 : i32
        %dma_start3A_17 = arith.constant 0 : i32
        %dma_start3A_18 = tpu.memref_slice %arg2[%dma_start3A, %dma_start3A_17] : memref<10000x256xf32, #tpu.memory_space<hbm>> -> memref<10000x256xf32, #tpu.memory_space<hbm>>
        tpu.enqueue_indirect_dma source(%dma_start3A_18 : memref<10000x256xf32, #tpu.memory_space<hbm>>) target(%arg8 : memref<128x256xf32, #tpu.memory_space<vmem>>) offsets(%arg6 : memref<128xi32, #tpu.memory_space<vmem>>) semaphore(%arg11 : memref<!tpu.dma_semaphore, #tpu.memory_space<semaphore_mem>>)
        %dma_start3A_19 = arith.constant 0 : i32
        %dma_start3A_20 = arith.constant 0 : i32
        %dma_start3A_21 = tpu.memref_slice %arg2[%dma_start3A_19, %dma_start3A_20] : memref<10000x256xf32, #tpu.memory_space<hbm>> -> memref<10000x256xf32, #tpu.memory_space<hbm>>
        tpu.enqueue_indirect_dma source(%dma_start3A_21 : memref<10000x256xf32, #tpu.memory_space<hbm>>) target(%arg9 : memref<128x256xf32, #tpu.memory_space<vmem>>) offsets(%arg7 : memref<128xi32, #tpu.memory_space<vmem>>) semaphore(%arg11 : memref<!tpu.dma_semaphore, #tpu.memory_space<semaphore_mem>>)
        %dma_wait3A = arith.constant 0 : i32
        %dma_wait3A_22 = arith.constant 0 : i32
        %dma_wait3A_23 = tpu.memref_slice %arg2[%dma_wait3A, %dma_wait3A_22] : memref<10000x256xf32, #tpu.memory_space<hbm>> -> memref<10000x256xf32, #tpu.memory_space<hbm>>
        tpu.wait_indirect_dma semaphore(%arg11 : memref<!tpu.dma_semaphore, #tpu.memory_space<semaphore_mem>>) src(%dma_wait3A_23 : memref<10000x256xf32, #tpu.memory_space<hbm>>) dst(%arg8 : memref<128x256xf32, #tpu.memory_space<vmem>>)
        %dma_wait3A_24 = arith.constant 0 : i32
        %dma_wait3A_25 = arith.constant 0 : i32
        %dma_wait3A_26 = tpu.memref_slice %arg2[%dma_wait3A_24, %dma_wait3A_25] : memref<10000x256xf32, #tpu.memory_space<hbm>> -> memref<10000x256xf32, #tpu.memory_space<hbm>>
        tpu.wait_indirect_dma semaphore(%arg11 : memref<!tpu.dma_semaphore, #tpu.memory_space<semaphore_mem>>) src(%dma_wait3A_26 : memref<10000x256xf32, #tpu.memory_space<hbm>>) dst(%arg9 : memref<128x256xf32, #tpu.memory_space<vmem>>)
        "tpu.region"() ({
          %run_scoped3A = tpu.sem_alloc : memref<!tpu.dma_semaphore, #tpu.memory_space<semaphore_mem>>
          %dma_start3A_27 = tpu.memref_slice %arg5[%mul3A_16] : memref<160000xf32, #tpu.memory_space<hbm>> -> memref<128xf32, #tpu.memory_space<hbm>>
          %dma_start3A_28 = tpu.memref_slice %arg5[%mul3A_16] : memref<160000xf32, #tpu.memory_space<hbm>> -> memref<128xf32, #tpu.memory_space<hbm>>
          tpu.enqueue_dma source(%arg10 : memref<128xf32, #tpu.memory_space<vmem>>) target(%dma_start3A_28 : memref<128xf32, #tpu.memory_space<hbm>>) target_semaphore(%run_scoped3A : memref<!tpu.dma_semaphore, #tpu.memory_space<semaphore_mem>>)
          %dma_wait3A_29 = tpu.memref_slice %arg5[%mul3A_16] : memref<160000xf32, #tpu.memory_space<hbm>> -> memref<128xf32, #tpu.memory_space<hbm>>
          %dma_wait3A_30 = tpu.memref_slice %arg5[%mul3A_16] : memref<160000xf32, #tpu.memory_space<hbm>> -> memref<128xf32, #tpu.memory_space<hbm>>
          tpu.wait_dma2 semaphore(%run_scoped3A : memref<!tpu.dma_semaphore, #tpu.memory_space<semaphore_mem>>) src(%arg10 : memref<128xf32, #tpu.memory_space<vmem>>) dst(%dma_wait3A_30 : memref<128xf32, #tpu.memory_space<hbm>>)
          tpu.yield
        }) : () -> ()
      } else {
      }
      %scan3A_14 = arith.constant 0 : i32
      scf.yield %scan3A_14 : i32
    }
    %scan3A_6 = arith.constant 40 : i32
    return
  }
}

</mosaic_0001>

<sc_bundles>
// kernel: kernel.3.cloned.1.call-start
scs
__scs_entry_jumppad:
0x0: {  	(pc) =	sbr.rel $0x88, $3  }
0x1: {  	(tag) =	ssettag $0x0;
	lr =	simm.s32 $0x1  }
0x2: {  	[smem:$0x3F9F] =	sst lr;
	_ =	strace $0xD0000000  }
0x3: {  	_ = 	snop  }
0x4: {  	_ = 	snop  }
0x5: {  	_ = 	snop  }
0x6: {  	_ = 	snop  }
0x7: {  	_ = 	snop  }
__scs_overlays_trampoline_lowered:
0x8: {  	[smem:$0x3FAE] =	sst s0  }
0x9: {  	[smem:$0x3FAF] =	sst s1  }
0xa: {  	[smem:$0x3FB0] =	sst s2  }
0xb: {  	[smem:$0x3FB1] =	sst s3  }
0xc: {  	[smem:$0x3FB2] =	sst s4  }
0xd: {  	[smem:$0x3FB3] =	sst s5  }
0xe: {  	[smem:$0x3FB4] =	sst s6  }
0xf: {  	[smem:$0x3FB5] =	sst s7  }
0x10: {  	[smem:$0x3FB6] =	sst s8  }
0x11: {  	[smem:$0x3FB7] =	sst s9;
	s0 =	simm.s32 @!p0 $0x0  }
0x12: {  	s1 =	sld [smem:$0x3F9D];
	s0 =	simm.s32 @p0 $0x1  }
0x13: {  	[smem:$0x3FB8] =	sst s0;
	s0 =	simm.s32 @!p1 $0x0  }
0x14: {  	s2 =	sld [smem:$0x3F9C];
	s0 =	simm.s32 @p1 $0x1  }
0x15: {  	[smem:$0x3FB9] =	sst s0;
	s0 =	simm.s32 @!p2 $0x0  }
0x16: {  	s3 =	sld [smem:$0x3FDB];
	s0 =	simm.s32 @p2 $0x1  }
0x17: {  	s4 =	simm.s32 $0x1BF5;
	[smem:$0x3FBB] =	sst s0  }
0x18: {  	s0 =	sld [smem:$0x3F9E];
	_ =	swait.ge [sflag:s4], $0x0  }
0x19: {  	s7 =	sld [smem:$0x3F9F]  }
0x1a: {  	s8 =	sadd.s32 $0xFFFFE003, lr  }
0x1b: {  	s9 =	sadd.s32 $0xFFFFFEF7, lr;
	s5 =	simm.s32 $0xFFFFFFFF;
	p2 =	slt.u32 s8, $0xFFFFF086  }
0x1c: {  	p1 =	slt.u32 s9, $0xF7A;
	s5 =	simm.s32 @!p2 $0x0  }
0x1d: {  	s5 =	simm.s32 @p1 $0x1;
	p0 =	seq.s32 s7, s2  }
0x1e: {  	s7 =	smul.u32 @!p0 $0xF7A, s2;
	p2 =	seq.s32 @!p0 s5, $0x0  }
0x1f: {  	s9 =	smul.u32 $0xF7A, s1;
	s8 =	simm.s32 @!p0 $0x1BF5;
	p2 =	por !p2, p0  }
0x20: {  	[sflag:s8] =	ssyncset.s32 @!p0 $0xFFFFF086;
	s6 =	sadd.s32 @!p0 s3, s7;
	s7 =	simm.s32 @!p0 $0x108  }
0x21: {  	s3 =	sadd.s32 s3, s9;
	s6 =	sadd.s32 @!p0 $0x88, s6;
	s7 =	simm.s32 @p2 $0x1082  }
0x22: {  	[simem:s7], [sflag:s8] =	dma.local @!p0 [hbm:s6], $0xF7A  }
0x23: {  	s9 =	sor.u32 $0xD0000000, s2;
	s6 =	simm.s32 $0x108;
	_ =	swait.ge @!p0 [sflag:s8], $0x0  }
0x24: {  	s3 =	sadd.s32 $0x88, s3;
	s6 =	simm.s32 @!p1 $0x1082;
	[sflag:s4] =	ssyncset.s32 $0xFFFFF086  }
0x25: {  	[simem:s6], [sflag:s4] =	dma.local [hbm:s3], $0xF7A  }
0x26: {  	[smem:$0x3F9F] =	sst s1;
	(tag) =	ssettag s2;
	_ =	strace s9  }
0x27: {  	s1 =	sld [smem:$0x3FAF]  }
0x28: {  	s2 =	sld [smem:$0x3FB0]  }
0x29: {  	s4 =	sld [smem:$0x3FB2]  }
0x2a: {  	p0 =	seq.s32 s5, $0x0;
	s5 =	sld [smem:$0x3FB3]  }
0x2b: {  	s6 =	sld [smem:$0x3FB4]  }
0x2c: {  	s7 =	sld [smem:$0x3FB5]  }
0x2d: {  	s3 =	simm.s32 $0x108;
	s8 =	sld [smem:$0x3FB6]  }
0x2e: {  	s3 =	simm.s32 @!p0 $0x1082;
	s9 =	sld [smem:$0x3FB7]  }
0x2f: {  	lr =	sadd.s32 s0, s3;
	s0 =	sld [smem:$0x3FAE]  }
0x30: {  	s3 =	sld [smem:$0x3FB1]  }
0x31: {  	[smem:$0x3FBA] =	sst s10  }
0x32: {  	s10 =	sld [smem:$0x3FB8];
	_ =	sdelay $0x3  }
0x33: {  	p0 =	seq.s32 s10, $0x1;
	s10 =	sld [smem:$0x3FBA];
	_ =	sdelay $0x3  }
0x34: {  	[smem:$0x3FBA] =	sst s10  }
0x35: {  	s10 =	sld [smem:$0x3FB9];
	_ =	sdelay $0x3  }
0x36: {  	p1 =	seq.s32 s10, $0x1;
	s10 =	sld [smem:$0x3FBA];
	_ =	sdelay $0x3  }
0x37: {  	[smem:$0x3FBA] =	sst s10  }
0x38: {  	s10 =	sld [smem:$0x3FBB]  }
0x39: {  	_ = 	snop;
	(pc) =	sbr.ind lr, $3  }
0x3a: {  	_ = 	snop  }
0x3b: {  	_ = 	snop  }
0x3c: {  	p2 =	seq.s32 s10, $0x1;
	s10 =	sld [smem:$0x3FBA]  }
0x3d: {  	_ =	shalt  }
0x3e: {  	_ =	shalt  }
0x3f: {  	_ =	shalt  }
0x40: {  	_ =	shalt  }
0x41: {  	_ =	shalt  }
0x42: {  	_ =	shalt  }
0x43: {  	_ =	shalt  }
0x44: {  	_ =	shalt  }
0x45: {  	_ =	shalt  }
0x46: {  	_ =	shalt  }
0x47: {  	_ =	shalt  }
0x48: {  	_ =	shalt  }
0x49: {  	_ =	shalt  }
0x4a: {  	_ =	shalt  }
0x4b: {  	_ =	shalt  }
0x4c: {  	_ =	shalt  }
0x4d: {  	_ =	shalt  }
0x4e: {  	_ =	shalt  }
0x4f: {  	_ =	shalt  }
0x50: {  	_ =	shalt  }
0x51: {  	_ =	shalt  }
0x52: {  	_ =	shalt  }
0x53: {  	_ =	shalt  }
0x54: {  	_ =	shalt  }
0x55: {  	_ =	shalt  }
0x56: {  	_ =	shalt  }
0x57: {  	_ =	shalt  }
0x58: {  	_ =	shalt  }
0x59: {  	_ =	shalt  }
0x5a: {  	_ =	shalt  }
0x5b: {  	_ =	shalt  }
0x5c: {  	_ =	shalt  }
0x5d: {  	_ =	shalt  }
0x5e: {  	_ =	shalt  }
0x5f: {  	_ =	shalt  }
0x60: {  	_ =	shalt  }
0x61: {  	_ =	shalt  }
0x62: {  	_ =	shalt  }
0x63: {  	_ =	shalt  }
0x64: {  	_ =	shalt  }
0x65: {  	_ =	shalt  }
0x66: {  	_ =	shalt  }
0x67: {  	_ =	shalt  }
0x68: {  	_ =	shalt  }
0x69: {  	_ =	shalt  }
0x6a: {  	_ =	shalt  }
0x6b: {  	_ =	shalt  }
0x6c: {  	_ =	shalt  }
0x6d: {  	_ =	shalt  }
0x6e: {  	_ =	shalt  }
0x6f: {  	_ =	shalt  }
0x70: {  	_ =	shalt  }
0x71: {  	_ =	shalt  }
0x72: {  	_ =	shalt  }
0x73: {  	_ =	shalt  }
0x74: {  	_ =	shalt  }
0x75: {  	_ =	shalt  }
0x76: {  	_ =	shalt  }
0x77: {  	_ =	shalt  }
0x78: {  	_ =	shalt  }
0x79: {  	_ =	shalt  }
0x7a: {  	_ =	shalt  }
0x7b: {  	_ =	shalt  }
0x7c: {  	_ =	shalt  }
0x7d: {  	_ =	shalt  }
0x7e: {  	_ =	shalt  }
0x7f: {  	_ =	shalt  }
0x80: {  	_ =	shalt  }
0x81: {  	_ =	shalt  }
0x82: {  	_ =	shalt  }
0x83: {  	_ =	shalt  }
0x84: {  	_ =	shalt  }
0x85: {  	_ =	shalt  }
0x86: {  	_ =	shalt  }
0x87: {  	_ =	shalt  }
.Lfunc_end0:
.L_simem_size_0:
called_computation_lowered:
.L_overlay_start_0:
0x88: {  	s2 =	sld [smem:$0x3FD9]  }
0x89: {  	s3 =	sld [smem:$0x3FFE];
	_ =	sdelay $0x1  }
0x8a: {  	s1 =	srdreg.scid  }
0x8b: {  	s0 =	sand.u32 $0x1, s1  }
0x8c: {  	s16 =	sshll.u32 s0, $0xA;
	s2 =	sadd.s32 s3, s2  }
0x8d: {  	s2 =	sadd.s32 s2, s16  }
0x8e: {  	[smem:$0x3FC6] =	sst s2  }
0x8f: {  	_ = 	snop  }
0x90: {  	(tm) =	ssettm $0x1  }
0x91: {  	s17 =	sld [smem:$0x3FFB];
	_ =	sdelay $0x3  }
0x92: {  	_ =	strace s17  }
0x93: {  	s2 =	sld [smem:$0x3FFC];
	_ =	sdelay $0x3  }
0x94: {  	_ =	strace s2  }
0x95: {  	s2 =	sld [smem:$0x3FFD];
	_ =	sdelay $0x3  }
0x96: {  	_ =	strace s2  }
0x97: {  	_ =	strace $0x8FFFFFFF  }
0x98: {  	s18 =	sld [smem:$0x3FDB];
	_ =	sdelay $0x1  }
0x99: {  	s19 =	simm.s32 $_scs_section_size  }
0x9a: {  	s4 =	simm.s32 $_size__tile_overlayer_lowered;
	s5 =	simm.s32 $_tile_overlayer_lowered  }
0x9b: {  	s22 =	simm.s32 $0x1BFF;
	s21 =	sshll.u32 s5, $0x1;
	s2 =	sadd.s32 s19, s18  }
0x9c: {  	s6 =	simm.s32 $0x0;
	s20 =	sshll.u32 s4, $0x1;
	s4 =	sadd.s32 s21, s2  }
0x9d: {  	[timem:s6], [sflag:s22] =	dma.local [hbm:s4], s20  }
0x9e: {  	_ =	swait.ge [sflag:s22], s20  }
0x9f: {  	s3 =	ssub.s32 $0x0, s20;
	[sflag:s22] =	ssyncset.done $0x0  }
0xa0: {  	[sflag:s22] =	ssyncadd.s32 s3;
	_ =	sdelay $0x1  }
0xa1: {  	s23 =	simm.s32 $0x1B8B  }
0xa2: {  	_ =	swait.ge [sflag:s23], $0x1  }
0xa3: {  	[sflag:s23] =	ssyncset.done $0x0  }
0xa4: {  	s25 =	simm.s32 $0x1B8E;
	s24 =	sld [smem:$0x3FFE];
	[sflag:s23] =	ssyncadd.s32 $0xFFFFFFFF  }
0xa5: {  	s26 =	simm.s32 $execute0_lowered;
	[smem:$0x3FD2] =	sst s25  }
0xa6: {  	s4 =	sshll.u32 s26, $0x1;
	_ =	strace $0x80000046;
	[dreg:$0x1] =	wrdreg $0xFFFFFFFF  }
0xa7: {  	s28 =	simm.s32 $_size_execute0_lowered;
	s2 =	sadd.s32 s2, s4;
	[dreg:$0x0] =	wrdreg $0x0  }
0xa8: {  	s4 =	sshll.u32 s28, $0x1;
	[dreg:$0x2] =	wrdreg s2  }
0xa9: {  	[dreg:$0x3] =	wrdreg s4  }
0xaa: {  	[dreg:$0x4] =	wrdreg $0xC0  }
0xab: {  	_ =	task [dreg:s6], $0x5FFFF  }
0xac: {  	[dreg:$0x1] =	wrdreg $0xFFFFFFFF  }
0xad: {  	[dreg:$0x0] =	wrdreg $0x60  }
0xae: {  	[dreg:$0x2] =	wrdreg s24  }
0xaf: {  	[dreg:$0x3] =	wrdreg $0x9  }
0xb0: {  	_ =	task.clear_ibuf [dreg:s6], $0x4FFFF;
	_ =	strace $0x90000046  }
0xb1: {  	s29 =	simm.s32 $0x9;
	_ =	strace $0x80000048  }
0xb2: {  	_ =	swait.ge [sflag:s29], $0x1  }
0xb3: {  	[sflag:s29] =	ssyncadd.s32 $0xFFFFFFFF  }
0xb4: {  	_ =	strace $0x90000048  }
0xb5: {  	_ =	sfence  }
0xb6: {  	s30 =	sld [smem:$0x0];
	_ =	sdelay $0x2  }
0xb7: {  	s31 =	sshll.u32 s1, $0xD;
	s1 =	sshrl.u32 s1, $0x2  }
0xb8: {  	s3 =	sand.u32 $0x4000, s31;
	s1 =	sadd.s32 s1, s30  }
0xb9: {  	s0 =	sor.u32 s3, s0;
	s1 =	sshll.u32 s1, $0x11  }
0xba: {  	s0 =	sor.u32 s1, s0  }
0xbb: {  	s0 =	sadd.s32 $0x8F2B, s0  }
0xbc: {  	[sflag:s0] =	ssyncadd.remote.s32 $0x1  }
0xbd: {  	_ =	sfence.sel $0xFFFF  }
0xbe: {  	[dreg:$0x0] =	wrdreg $0xFFFFFFFF;
	(pc) =	sbr.abs _section_cstart, $3  }
0xbf: {  	[dreg:$0x1] =	wrdreg $0xFFFFFFFF  }
0xc0: {  	_ =	task.clear_ibuf [dreg:s6], $0x2FFFF;
	_ =	strace $0x9FFFFFFF  }
0xc1: {  	(tm) =	ssettm $0x7FFFFFFF  }
tec
execute0_lowered:
.L_overlay_start_1:
0x0: {  	(tag) =	ssettag $0x1  }
0x1: {  	s4 =	rddreg [dreg:$0x0]  }
0x2: {  	s0 =	rddreg [dreg:$0x1];
	s1 =	simm.s32 $0x0  }
0x3: {  	s2 =	srdreg.scid;
	[smem:$0x7FF] =	sst s1  }
0x4: {  	s5 =	sand.u32 $0x1, s2;
	s2 =	stileid.u32;
	s3 =	sadd.s32 $0xA000, s4  }
0x5: {  	_ =	strace $0x80000047;
	s6 =	ssub.s32 $0x2, s5;
	s7 =	sshll.u32 s2, $0x5  }
0x6: {  	s5 =	sshll.u32 s5, $0x4;
	s8 =	sshrl.u32 s6, $0x1;
	s7 =	sadd.s32 s7, s4  }
0x7: {  	s4 =	sshll.u32 s2, $0x1;
	s6 =	ssub.s32 s6, s8;
	s5 =	sadd.s32 s5, s7  }
0x8: {  	s6 =	smax.u32 s6, $0x1;
	s7 =	sadd.s32 $0x58200, s5;
	s8 =	sadd.s32 $0x5000, s5  }
.LBB2_1:
0x9: {  	p0 =	sgt.u32 s4, $0x4E1  }
0xa: {  	s9 =	sadd.s32 @!p0 $0x0, s8;
	s10 =	simm.s32 @!p0 $0x0;
	s11 =	simm.s32 @!p0 $0x3  }
0xb: {  	[tilespmem:s10], [sflag:$0x3] =	stream.linear.gather @!p0 [hbm4b:s9+s10], $0x80, $0x38;
	[tilespmem:$0x10180] =	vst v63  }
0xc: {  	_ =	swait.ge @!p0 [sflag:s11], $0x80;
	p0 =	por p0, p0  }
0xd: {  	[sflag:s11] =	ssyncset.done @!p0 $0x0  }
0xe: {  	s9 =	sadd.s32 @!p0 $0x0, s5;
	s12 =	simm.s32 @!p0 $0x80;
	[sflag:s11] =	ssyncadd.s32 @!p0 $0xFFFFFF80  }
0xf: {  	[tilespmem:s12], [sflag:$0x3] =	stream.linear.gather @!p0 [hbm4b:s9+s10], $0x80, $0x38;
	[tilespmem:$0x10180] =	vst v63  }
0x10: {  	_ =	swait.ge @!p0 [sflag:s11], $0x80  }
0x11: {  	[sflag:s11] =	ssyncset.done @!p0 $0x0  }
0x12: {  	s9 =	simm.s32 @!p0 $0x100;
	[sflag:s11] =	ssyncadd.s32 @!p0 $0xFFFFFF80  }
0x13: {  	[tilespmem:s9], [sflag:$0x1] =	stream.indirect.gather @!p0 [hbm4b:s3+s12], $0x100, s10, s12, $0xb8;
	[tilespmem:$0x10180] =	vst v63  }
0x14: {  	s11 =	simm.s32 @!p0 $0x1;
	s9 =	simm.s32 @!p0 $0x8100  }
0x15: {  	[tilespmem:s9], [sflag:$0x1] =	stream.indirect.gather @!p0 [hbm4b:s3+s12], $0x100, s12, s12, $0xb8;
	[tilespmem:$0x10180] =	vst v63  }
0x16: {  	_ =	swait.ge @!p0 [sflag:s11], $0x8000  }
0x17: {  	[sflag:s11] =	ssyncset.done @!p0 $0x0  }
0x18: {  	[sflag:s11] =	ssyncadd.s32 @!p0 $0xFFFF8000  }
0x19: {  	_ =	swait.ge @!p0 [sflag:s11], $0x8000  }
0x1a: {  	[sflag:s11] =	ssyncset.done @!p0 $0x0  }
0x1b: {  	s9 =	sadd.s32 @!p0 $0x0, s7;
	[sflag:s11] =	ssyncadd.s32 @!p0 $0xFFFF8000;
	s11 =	simm.s32 @!p0 $0x10100  }
0x1c: {  	[hbm4b:s9+s10] =	stream.linear.scatter @!p0 [tilespmem:s11], [sflag:$0x2], $0x80, $0x38;
	[tilespmem:$0x10180] =	vst v63  }
0x1d: {  	s12 =	simm.s32 @!p0 $0x2;
	s9 =	simm.s32 $0x200;
	s10 =	sadd.s32 $0x20, s4  }
0x1e: {  	s11 =	simm.s32 $0x400;
	p2 =	sgt.u32 s10, $0x4E1;
	_ =	swait.ge @!p0 [sflag:s12], $0x80  }
.LBB2_2:
0x1f: {  	s13 =	sadd.s32 @!p2 s9, s8  }
0x20: {  	s14 =	simm.s32 @!p2 $0x0;
	[sflag:s12] =	ssyncset.done @!p0 $0x0;
	s15 =	smov.u32 s11  }
0x21: {  	s11 =	sadd.s32 $0x200, s11;
	s16 =	simm.s32 @!p2 $0x3;
	[sflag:s12] =	ssyncadd.s32 @!p0 $0xFFFFFF80  }
0x22: {  	[tilespmem:s14], [sflag:$0x3] =	stream.linear.gather @!p2 [hbm4b:s13+s14], $0x80, $0x38;
	[tilespmem:$0x10180] =	vst v63  }
0x23: {  	p1 =	sne.s32 s11, $0x5000;
	p0 =	por p2, p2;
	_ =	swait.ge @!p2 [sflag:s16], $0x80  }
0x24: {  	[sflag:s16] =	ssyncset.done @!p0 $0x0  }
0x25: {  	s12 =	sadd.s32 @!p0 s9, s5;
	s13 =	simm.s32 @!p0 $0x80;
	[sflag:s16] =	ssyncadd.s32 @!p0 $0xFFFFFF80  }
0x26: {  	[tilespmem:s13], [sflag:$0x3] =	stream.linear.gather @!p0 [hbm4b:s12+s14], $0x80, $0x38;
	[tilespmem:$0x10180] =	vst v63  }
0x27: {  	_ =	swait.ge @!p0 [sflag:s16], $0x80  }
0x28: {  	[sflag:s16] =	ssyncset.done @!p0 $0x0  }
0x29: {  	s12 =	simm.s32 @!p0 $0x100;
	[sflag:s16] =	ssyncadd.s32 @!p0 $0xFFFFFF80  }
0x2a: {  	[tilespmem:s12], [sflag:$0x1] =	stream.indirect.gather @!p0 [hbm4b:s3+s13], $0x100, s14, s13, $0xb8;
	[tilespmem:$0x10180] =	vst v63  }
0x2b: {  	s16 =	simm.s32 @!p0 $0x1;
	s12 =	simm.s32 @!p0 $0x8100  }
0x2c: {  	[tilespmem:s12], [sflag:$0x1] =	stream.indirect.gather @!p0 [hbm4b:s3+s13], $0x100, s13, s13, $0xb8;
	[tilespmem:$0x10180] =	vst v63  }
0x2d: {  	_ =	swait.ge @!p0 [sflag:s16], $0x8000  }
0x2e: {  	[sflag:s16] =	ssyncset.done @!p0 $0x0  }
0x2f: {  	[sflag:s16] =	ssyncadd.s32 @!p0 $0xFFFF8000  }
.Ltmp0:
0x30: {  	_ =	swait.ge @!p0 [sflag:s16], $0x8000;
	(pc) =	sbr.rel @p1 .LBB2_2-.Ltmp0, $4  }
0x31: {  	s10 =	sadd.s32 $0x20, s10;
	s12 =	simm.s32 @!p0 $0x2;
	[sflag:s16] =	ssyncset.done @!p0 $0x0  }
0x32: {  	s9 =	sadd.s32 @!p0 s9, s7;
	s13 =	simm.s32 @!p0 $0x10100;
	[sflag:s16] =	ssyncadd.s32 @!p0 $0xFFFF8000  }
0x33: {  	[hbm4b:s9+s14] =	stream.linear.scatter @!p0 [tilespmem:s13], [sflag:$0x2], $0x80, $0x38;
	[tilespmem:$0x10180] =	vst v63  }
0x34: {  	p2 =	sgt.u32 s10, $0x4E1;
	s9 =	smov.u32 s15;
	_ =	swait.ge @!p0 [sflag:s12], $0x80  }
0x35: {  	s10 =	sadd.s32 @!p2 s9, s8;
	[sflag:s12] =	ssyncset.done @!p0 $0x0  }
0x36: {  	s11 =	simm.s32 @!p2 $0x0;
	s13 =	simm.s32 @!p2 $0x3;
	[sflag:s12] =	ssyncadd.s32 @!p0 $0xFFFFFF80  }
0x37: {  	[tilespmem:s11], [sflag:$0x3] =	stream.linear.gather @!p2 [hbm4b:s10+s11], $0x80, $0x38;
	[tilespmem:$0x10180] =	vst v63  }
0x38: {  	p0 =	por p2, p2;
	_ =	swait.ge @!p2 [sflag:s13], $0x80  }
0x39: {  	[sflag:s13] =	ssyncset.done @!p0 $0x0  }
0x3a: {  	s10 =	sadd.s32 @!p0 s9, s5;
	s12 =	simm.s32 @!p0 $0x80;
	[sflag:s13] =	ssyncadd.s32 @!p0 $0xFFFFFF80  }
0x3b: {  	[tilespmem:s12], [sflag:$0x3] =	stream.linear.gather @!p0 [hbm4b:s10+s11], $0x80, $0x38;
	[tilespmem:$0x10180] =	vst v63  }
0x3c: {  	_ =	swait.ge @!p0 [sflag:s13], $0x80  }
0x3d: {  	[sflag:s13] =	ssyncset.done @!p0 $0x0  }
0x3e: {  	s10 =	simm.s32 @!p0 $0x100;
	[sflag:s13] =	ssyncadd.s32 @!p0 $0xFFFFFF80  }
0x3f: {  	[tilespmem:s10], [sflag:$0x1] =	stream.indirect.gather @!p0 [hbm4b:s3+s12], $0x100, s11, s12, $0xb8;
	[tilespmem:$0x10180] =	vst v63  }
0x40: {  	s13 =	simm.s32 @!p0 $0x1;
	s10 =	simm.s32 @!p0 $0x8100  }
0x41: {  	[tilespmem:s10], [sflag:$0x1] =	stream.indirect.gather @!p0 [hbm4b:s3+s12], $0x100, s12, s12, $0xb8;
	[tilespmem:$0x10180] =	vst v63  }
0x42: {  	_ =	swait.ge @!p0 [sflag:s13], $0x8000  }
0x43: {  	[sflag:s13] =	ssyncset.done @!p0 $0x0  }
0x44: {  	s1 =	sadd.s32 $0x1, s1;
	[sflag:s13] =	ssyncadd.s32 @!p0 $0xFFFF8000  }
0x45: {  	p1 =	sne.s32 s1, s6;
	_ =	swait.ge @!p0 [sflag:s13], $0x8000  }
0x46: {  	s9 =	sadd.s32 @!p0 s9, s7;
	s10 =	simm.s32 @!p0 $0x2;
	[sflag:s13] =	ssyncset.done @!p0 $0x0  }
.Ltmp1:
0x47: {  	s12 =	simm.s32 @!p0 $0x10100;
	[sflag:s13] =	ssyncadd.s32 @!p0 $0xFFFF8000;
	(pc) =	sbr.rel @p1 .LBB2_1-.Ltmp1, $4  }
0x48: {  	[hbm4b:s9+s11] =	stream.linear.scatter @!p0 [tilespmem:s12], [sflag:$0x2], $0x80, $0x38;
	[tilespmem:$0x10180] =	vst v63  }
0x49: {  	_ =	swait.ge @!p0 [sflag:s10], $0x80  }
0x4a: {  	[sflag:s10] =	ssyncset.done @!p0 $0x0  }
0x4b: {  	[sflag:s10] =	ssyncadd.s32 @!p0 $0xFFFFFF80  }
0x4c: {  	_ =	sfence.sel $0x180000  }
0x4d: {  	[bflag:$0x0] =	sbarrier.arrive $0xFFFF  }
0x4e: {  	p0 =	sne.s32 s2, $0x0;
	_ =	strace $0x90000047  }
0x4f: {  	s0 =	sadd.s32 @!p0 $0x100000, s0;
	[bflag:$0x2] =	sbarrier.arrive $0xFFFF  }
0x50: {  	[sflag:s0] =	ssyncadd.tile.s32 @!p0 $0x1;
	_ =	shalt  }
.Lfunc_end2:
_tile_overlayer_lowered:
.L_overlay_start_2:
0x51: {  	(tag) =	ssettag $0x2  }
0x52: {  	s0 =	rddreg [dreg:$0x0];
	s2 =	stileid.u32  }
0x53: {  	s1 =	rddreg [dreg:$0x1];
	p0 =	sne.s32 s2, $0x0  }
0x54: {  	s3 =	rddreg [dreg:$0x2];
	[bflag:$0x3] =	sbarrier.arrive $0xFFFF;
	s2 =	simm.s32 @!p0 $0x1C02  }
0x55: {  	[timem:s3], [sflag:s2] =	dma.local @!p0 [hbm:s0], s1  }
0x56: {  	s0 =	simm.s32 @!p0 $0x2  }
0x57: {  	_ =	swait.ge @!p0 [sflag:s0], s1  }
0x58: {  	s1 =	ssub.s32 @!p0 $0x0, s1;
	[sflag:s0] =	ssyncset.done @!p0 $0x0  }
0x59: {  	[sflag:s0] =	ssyncadd.s32 @!p0 s1  }
0x5a: {  	[bflag:$0x3] =	sbarrier.arrive $0xFFFF  }
0x5b: {  	_ =	shalt  }

</sc_bundles>
